<compile_context>
chip_gen: v7x
topology: tpu7x:2x2x1
jax: 0.10.2.dev20260603
libtpu: 0.0.44.dev20260713+nightly
codegen_flags: <defaults>
</compile_context>

<pallas_src>
import functools

import jax
import jax.numpy as jnp
from jax import lax
from jax.experimental import pallas as pl
from jax.experimental.pallas import tpu as pltpu
from jax.experimental.pallas import tpu_sc as plsc

T = 32
B = 4096
D = 128
TB = T * B
MB_ROWS = TB // 4

NC = 2
NS = 16
NW = NC * NS
N_PER_W = MB_ROWS // NW
C = 256
NCHUNK = N_PER_W // C
NBUF = 3
LANES = 16
IGNORED = -1


def _body(mem_hbm, val_hbm, lo_hbm, idx_hbm, out_hbm,
          idxm_v, idxv_v, lo_v, *rest):
    bufs = rest[:NBUF]
    gm_sems = rest[NBUF:2 * NBUF]
    gv_sems = rest[2 * NBUF:3 * NBUF]
    st_sems = rest[3 * NBUF:4 * NBUF]

    wid = lax.axis_index("s") * NC + lax.axis_index("c")
    base = wid * N_PER_W

    pltpu.sync_copy(idx_hbm.at[pl.ds(base, N_PER_W)], idxm_v)
    pltpu.sync_copy(lo_hbm, lo_v)
    lo = lo_v[...]

    def split(j, carry):
        iv = idxm_v[pl.ds(j * LANES, LANES)]
        m = (iv >= lo) & (iv < lo + B)
        idxm_v[pl.ds(j * LANES, LANES)] = jnp.where(m, IGNORED, iv)
        idxv_v[pl.ds(j * LANES, LANES)] = jnp.where(m, iv - lo, IGNORED)
        return carry

    lax.fori_loop(0, N_PER_W // LANES, split, 0)

    def start_gathers(c):
        bi = c % NBUF
        sl = pl.ds(c * C, C)
        gm = pltpu.async_copy(
            mem_hbm.at[plsc.Indices(idxm_v.at[sl], ignored_value=IGNORED)],
            bufs[bi], gm_sems[bi])
        gv = pltpu.async_copy(
            val_hbm.at[plsc.Indices(idxv_v.at[sl], ignored_value=IGNORED)],
            bufs[bi], gv_sems[bi])
        return gm, gv

    def store_chunk(c):
        bi = c % NBUF
        return pltpu.async_copy(
            bufs[bi], out_hbm.at[pl.ds(base + c * C, C)], st_sems[bi])

    gm = [None] * NCHUNK
    gv = [None] * NCHUNK
    st = [None] * NCHUNK
    for c in range(min(NBUF, NCHUNK)):
        gm[c], gv[c] = start_gathers(c)
    for c in range(NCHUNK):
        gm[c].wait()
        gv[c].wait()
        st[c] = store_chunk(c)
        nxt = c + NBUF
        if nxt < NCHUNK:
            st[c].wait()
            gm[nxt], gv[nxt] = start_gathers(nxt)
    for c in range(max(0, NCHUNK - NBUF), NCHUNK):
        st[c].wait()


@functools.partial(jax.jit, static_argnames=())
def kernel(mem, val, step, batch_idx):
    mem_flat = mem.reshape(TB, D)
    step = jnp.asarray(step, dtype=jnp.int32)
    lo_arr = jnp.full((LANES,), step * B, dtype=jnp.int32)

    run = pl.kernel(
        _body,
        out_type=jax.ShapeDtypeStruct((MB_ROWS, D), jnp.float32),
        mesh=plsc.VectorSubcoreMesh(core_axis_name="c", subcore_axis_name="s"),
        scratch_types=[
            pltpu.VMEM((N_PER_W,), jnp.int32),
            pltpu.VMEM((N_PER_W,), jnp.int32),
            pltpu.VMEM((LANES,), jnp.int32),
        ] + [pltpu.VMEM((C, D), jnp.float32)] * NBUF
          + [pltpu.SemaphoreType.DMA] * (3 * NBUF),
    )
    return run(mem_flat, val, lo_arr, batch_idx.astype(jnp.int32))

# --- scband reference (transcript-rebuilt; emitter-appended) ---
"""Pipeline reference for scband-rollout-storage-36618891166138 (READ-ONLY COPY).

The authoritative reference and input builder live on the scoring server;
editing this copy changes nothing except your own understanding.
"""

import jax, jax.numpy as jnp
import numpy as np

T = 32
B = 4096
D = 128
NUM_MINI_BATCHES = 4
MB = (T * B) // NUM_MINI_BATCHES  # 32768


def setup_inputs(seed: int = 0) -> dict:
    key = jax.random.key(seed)
    k1, k2, k3 = jax.random.split(key, 3)
    mem = jax.random.normal(k1, (T, B, D), dtype=jnp.float32)
    val = jax.random.normal(k2, (B, D), dtype=jnp.float32)
    step = 5  # python int scalar (shape=[] int spec)
    batch_idx = jax.random.randint(k3, (MB,), 0, T * B, dtype=jnp.int64 if jax.config.jax_enable_x64 else jnp.int32).astype(jnp.int32)
    return {"mem": mem, "val": val, "step": step, "batch_idx": batch_idx}


def reference(mem, val, step, batch_idx):
    # update_key: scatter-overwrite row `step` of the rollout buffer
    # (getattr(self, key)[self.step].copy_(data))
    mem2 = mem.at[step].set(val)
    # mini_batch_generator: flatten (T, B) -> (T*B) and gather a shuffled mini-batch
    flat = mem2.reshape(T * B, D)
    batch = jnp.take(flat, batch_idx, axis=0)
    return batch

if __name__ == "__main__":
    import jax
    _d = setup_inputs()
    print(jax.jit(kernel)(*tuple(_d.values())))

</pallas_src>

<mosaic_0001>
#map = affine_map<(d0, d1) -> (0, 0)>
#map1 = affine_map<(d0, d1) -> (0)>
module attributes {stable_mosaic.version = 14 : i64} {
  func.func @_body(%arg0: i32, %arg1: i32, %arg2: memref<131072x128xf32, #tpu.memory_space<hbm>>, %arg3: memref<4096x128xf32, #tpu.memory_space<hbm>>, %arg4: memref<16xi32, #tpu.memory_space<hbm>>, %arg5: memref<32768xi32, #tpu.memory_space<hbm>>, %arg6: memref<32768x128xf32, #tpu.memory_space<hbm>>, %arg7: memref<1024xi32, #tpu.memory_space<vmem>>, %arg8: memref<1024xi32, #tpu.memory_space<vmem>>, %arg9: memref<16xi32, #tpu.memory_space<vmem>>, %arg10: memref<256x128xf32, #tpu.memory_space<vmem>>, %arg11: memref<256x128xf32, #tpu.memory_space<vmem>>, %arg12: memref<256x128xf32, #tpu.memory_space<vmem>>, %arg13: memref<!tpu.dma_semaphore, #tpu.memory_space<semaphore_mem>>, %arg14: memref<!tpu.dma_semaphore, #tpu.memory_space<semaphore_mem>>, %arg15: memref<!tpu.dma_semaphore, #tpu.memory_space<semaphore_mem>>, %arg16: memref<!tpu.dma_semaphore, #tpu.memory_space<semaphore_mem>>, %arg17: memref<!tpu.dma_semaphore, #tpu.memory_space<semaphore_mem>>, %arg18: memref<!tpu.dma_semaphore, #tpu.memory_space<semaphore_mem>>, %arg19: memref<!tpu.dma_semaphore, #tpu.memory_space<semaphore_mem>>, %arg20: memref<!tpu.dma_semaphore, #tpu.memory_space<semaphore_mem>>, %arg21: memref<!tpu.dma_semaphore, #tpu.memory_space<semaphore_mem>>) attributes {dimension_semantics = [#tpu.dimension_semantics<core_parallel>, #tpu.dimension_semantics<subcore_parallel>], iteration_bounds = array<i64: 2, 16>, scalar_prefetch = 0 : i64, scratch_operands = 15 : i64, tpu.core_type = #tpu.core_type<sc_vector_subcore>, window_params = [{transform_indices = #map}, {transform_indices = #map}, {transform_indices = #map1}, {transform_indices = #map1}, {transform_indices = #map}]} {
    %mul3A = arith.constant 2 : i32
    %mul3A_0 = arith.muli %arg1, %mul3A : i32
    %add3A = arith.addi %mul3A_0, %arg0 : i32
    %mul3A_1 = arith.constant 1024 : i32
    %mul3A_2 = arith.muli %add3A, %mul3A_1 : i32
    "tpu.region"() ({
      %run_scoped3A = tpu.sem_alloc : memref<!tpu.dma_semaphore, #tpu.memory_space<semaphore_mem>>
      %dma_start3A_136 = tpu.memref_slice %arg5[%mul3A_2] : memref<32768xi32, #tpu.memory_space<hbm>> -> memref<1024xi32, #tpu.memory_space<hbm>>
      %dma_start3A_137 = tpu.memref_slice %arg5[%mul3A_2] : memref<32768xi32, #tpu.memory_space<hbm>> -> memref<1024xi32, #tpu.memory_space<hbm>>
      tpu.enqueue_dma source(%dma_start3A_137 : memref<1024xi32, #tpu.memory_space<hbm>>) target(%arg7 : memref<1024xi32, #tpu.memory_space<vmem>>) target_semaphore(%run_scoped3A : memref<!tpu.dma_semaphore, #tpu.memory_space<semaphore_mem>>)
      %dma_wait3A_138 = tpu.memref_slice %arg5[%mul3A_2] : memref<32768xi32, #tpu.memory_space<hbm>> -> memref<1024xi32, #tpu.memory_space<hbm>>
      %dma_wait3A_139 = tpu.memref_slice %arg5[%mul3A_2] : memref<32768xi32, #tpu.memory_space<hbm>> -> memref<1024xi32, #tpu.memory_space<hbm>>
      tpu.wait_dma2 semaphore(%run_scoped3A : memref<!tpu.dma_semaphore, #tpu.memory_space<semaphore_mem>>) src(%dma_wait3A_139 : memref<1024xi32, #tpu.memory_space<hbm>>) dst(%arg7 : memref<1024xi32, #tpu.memory_space<vmem>>)
      tpu.yield
    }) : () -> ()
    "tpu.region"() ({
      %run_scoped3A = tpu.sem_alloc : memref<!tpu.dma_semaphore, #tpu.memory_space<semaphore_mem>>
      tpu.enqueue_dma source(%arg4 : memref<16xi32, #tpu.memory_space<hbm>>) target(%arg9 : memref<16xi32, #tpu.memory_space<vmem>>) target_semaphore(%run_scoped3A : memref<!tpu.dma_semaphore, #tpu.memory_space<semaphore_mem>>)
      tpu.wait_dma2 semaphore(%run_scoped3A : memref<!tpu.dma_semaphore, #tpu.memory_space<semaphore_mem>>) src(%arg4 : memref<16xi32, #tpu.memory_space<hbm>>) dst(%arg9 : memref<16xi32, #tpu.memory_space<vmem>>)
      tpu.yield
    }) : () -> ()
    %get3A = arith.constant 0 : index
    %get3A_3 = tpu.vector_load %arg9[%get3A] {strides = array<i32>} : memref<16xi32, #tpu.memory_space<vmem>>, vector<16xi32>,
    %get3A_4 = vector.shape_cast %get3A_3 : vector<16xi32> to vector<16xi32>
    %scan3A = arith.constant 0 : i32
    %scan3A_5 = arith.constant 0 : i32
    %scan3A_6 = arith.constant 64 : i32
    %scan3A_7 = arith.addi %scan3A_5, %scan3A_6 : i32
    %scan3A_8 = arith.constant 1 : i32
    scf.for %scan3A_136 = %scan3A_5 to %scan3A_7 step %scan3A_8  : i32 {
      %mul3A_137 = arith.constant 16 : i32
      %mul3A_138 = arith.muli %scan3A_136, %mul3A_137 : i32
      %get3A_139 = arith.index_cast %mul3A_138 : i32 to index
      %get3A_140 = tpu.vector_load %arg7[%get3A_139] {strides = array<i32>} : memref<1024xi32, #tpu.memory_space<vmem>>, vector<16xi32>,
      %get3A_141 = vector.shape_cast %get3A_140 : vector<16xi32> to vector<16xi32>
      %ge3A = arith.cmpi sge, %get3A_141, %get3A_4 : vector<16xi32>
      %add3A_142 = arith.constant 4096 : i32
      %add3A_143 = vector.broadcast %add3A_142 : i32 to vector<16xi32>
      %add3A_144 = arith.addi %get3A_4, %add3A_143 : vector<16xi32>
      %lt3A = arith.cmpi slt, %get3A_141, %add3A_144 : vector<16xi32>
      %and3A = arith.andi %ge3A, %lt3A : vector<16xi1>
      %jit3A = arith.constant -1 : i32
      %broadcast_in_dim3A = vector.broadcast %jit3A : i32 to vector<16xi32>
      %select_n3A = arith.select %and3A, %broadcast_in_dim3A, %get3A_141 : vector<16xi1>, vector<16xi32>
      %mul3A_145 = arith.constant 16 : i32
      %mul3A_146 = arith.muli %scan3A_136, %mul3A_145 : i32
      %swap3A = arith.index_cast %mul3A_146 : i32 to index
      %swap3A_147 = tpu.vector_load %arg7[%swap3A] {strides = array<i32>} : memref<1024xi32, #tpu.memory_space<vmem>>, vector<16xi32>,
      %swap3A_148 = vector.shape_cast %swap3A_147 : vector<16xi32> to vector<16xi32>
      %swap3A_149 = vector.shape_cast %select_n3A : vector<16xi32> to vector<16xi32>
      tpu.vector_store %arg7[%swap3A], %swap3A_149 {strides = array<i32>} : memref<1024xi32, #tpu.memory_space<vmem>>, vector<16xi32>,
      %sub3A = arith.subi %get3A_141, %get3A_4 : vector<16xi32>
      %jit3A_150 = arith.constant -1 : i32
      %broadcast_in_dim3A_151 = vector.broadcast %jit3A_150 : i32 to vector<16xi32>
      %select_n3A_152 = arith.select %and3A, %sub3A, %broadcast_in_dim3A_151 : vector<16xi1>, vector<16xi32>
      %mul3A_153 = arith.constant 16 : i32
      %mul3A_154 = arith.muli %scan3A_136, %mul3A_153 : i32
      %swap3A_155 = arith.index_cast %mul3A_154 : i32 to index
      %swap3A_156 = tpu.vector_load %arg8[%swap3A_155] {strides = array<i32>} : memref<1024xi32, #tpu.memory_space<vmem>>, vector<16xi32>,
      %swap3A_157 = vector.shape_cast %swap3A_156 : vector<16xi32> to vector<16xi32>
      %swap3A_158 = vector.shape_cast %select_n3A_152 : vector<16xi32> to vector<16xi32>
      tpu.vector_store %arg8[%swap3A_155], %swap3A_158 {strides = array<i32>} : memref<1024xi32, #tpu.memory_space<vmem>>, vector<16xi32>,
    }
    %scan3A_9 = arith.constant 64 : i32
    %dma_start3A = arith.constant 0 : i32
    %dma_start3A_10 = tpu.memref_slice %arg7[%dma_start3A] : memref<1024xi32, #tpu.memory_space<vmem>> -> memref<256xi32, #tpu.memory_space<vmem>>
    %dma_start3A_11 = arith.constant 0 : i32
    %dma_start3A_12 = arith.constant 0 : i32
    %dma_start3A_13 = tpu.memref_slice %arg2[%dma_start3A_11, %dma_start3A_12] : memref<131072x128xf32, #tpu.memory_space<hbm>> -> memref<131072x128xf32, #tpu.memory_space<hbm>>
    %dma_start3A_14 = arith.constant -1 : i32
    tpu.enqueue_indirect_dma source(%dma_start3A_13 : memref<131072x128xf32, #tpu.memory_space<hbm>>) target(%arg10 : memref<256x128xf32, #tpu.memory_space<vmem>>) offsets(%dma_start3A_10 : memref<256xi32, #tpu.memory_space<vmem>>) offset_filter(%dma_start3A_14) semaphore(%arg13 : memref<!tpu.dma_semaphore, #tpu.memory_space<semaphore_mem>>)
    %dma_start3A_15 = arith.constant 0 : i32
    %dma_start3A_16 = tpu.memref_slice %arg8[%dma_start3A_15] : memref<1024xi32, #tpu.memory_space<vmem>> -> memref<256xi32, #tpu.memory_space<vmem>>
    %dma_start3A_17 = arith.constant 0 : i32
    %dma_start3A_18 = arith.constant 0 : i32
    %dma_start3A_19 = tpu.memref_slice %arg3[%dma_start3A_17, %dma_start3A_18] : memref<4096x128xf32, #tpu.memory_space<hbm>> -> memref<4096x128xf32, #tpu.memory_space<hbm>>
    %dma_start3A_20 = arith.constant -1 : i32
    tpu.enqueue_indirect_dma source(%dma_start3A_19 : memref<4096x128xf32, #tpu.memory_space<hbm>>) target(%arg10 : memref<256x128xf32, #tpu.memory_space<vmem>>) offsets(%dma_start3A_16 : memref<256xi32, #tpu.memory_space<vmem>>) offset_filter(%dma_start3A_20) semaphore(%arg16 : memref<!tpu.dma_semaphore, #tpu.memory_space<semaphore_mem>>)
    %dma_start3A_21 = arith.constant 256 : i32
    %dma_start3A_22 = tpu.memref_slice %arg7[%dma_start3A_21] : memref<1024xi32, #tpu.memory_space<vmem>> -> memref<256xi32, #tpu.memory_space<vmem>>
    %dma_start3A_23 = arith.constant 0 : i32
    %dma_start3A_24 = arith.constant 0 : i32
    %dma_start3A_25 = tpu.memref_slice %arg2[%dma_start3A_23, %dma_start3A_24] : memref<131072x128xf32, #tpu.memory_space<hbm>> -> memref<131072x128xf32, #tpu.memory_space<hbm>>
    %dma_start3A_26 = arith.constant -1 : i32
    tpu.enqueue_indirect_dma source(%dma_start3A_25 : memref<131072x128xf32, #tpu.memory_space<hbm>>) target(%arg11 : memref<256x128xf32, #tpu.memory_space<vmem>>) offsets(%dma_start3A_22 : memref<256xi32, #tpu.memory_space<vmem>>) offset_filter(%dma_start3A_26) semaphore(%arg14 : memref<!tpu.dma_semaphore, #tpu.memory_space<semaphore_mem>>)
    %dma_start3A_27 = arith.constant 256 : i32
    %dma_start3A_28 = tpu.memref_slice %arg8[%dma_start3A_27] : memref<1024xi32, #tpu.memory_space<vmem>> -> memref<256xi32, #tpu.memory_space<vmem>>
    %dma_start3A_29 = arith.constant 0 : i32
    %dma_start3A_30 = arith.constant 0 : i32
    %dma_start3A_31 = tpu.memref_slice %arg3[%dma_start3A_29, %dma_start3A_30] : memref<4096x128xf32, #tpu.memory_space<hbm>> -> memref<4096x128xf32, #tpu.memory_space<hbm>>
    %dma_start3A_32 = arith.constant -1 : i32
    tpu.enqueue_indirect_dma source(%dma_start3A_31 : memref<4096x128xf32, #tpu.memory_space<hbm>>) target(%arg11 : memref<256x128xf32, #tpu.memory_space<vmem>>) offsets(%dma_start3A_28 : memref<256xi32, #tpu.memory_space<vmem>>) offset_filter(%dma_start3A_32) semaphore(%arg17 : memref<!tpu.dma_semaphore, #tpu.memory_space<semaphore_mem>>)
    %dma_start3A_33 = arith.constant 512 : i32
    %dma_start3A_34 = tpu.memref_slice %arg7[%dma_start3A_33] : memref<1024xi32, #tpu.memory_space<vmem>> -> memref<256xi32, #tpu.memory_space<vmem>>
    %dma_start3A_35 = arith.constant 0 : i32
    %dma_start3A_36 = arith.constant 0 : i32
    %dma_start3A_37 = tpu.memref_slice %arg2[%dma_start3A_35, %dma_start3A_36] : memref<131072x128xf32, #tpu.memory_space<hbm>> -> memref<131072x128xf32, #tpu.memory_space<hbm>>
    %dma_start3A_38 = arith.constant -1 : i32
    tpu.enqueue_indirect_dma source(%dma_start3A_37 : memref<131072x128xf32, #tpu.memory_space<hbm>>) target(%arg12 : memref<256x128xf32, #tpu.memory_space<vmem>>) offsets(%dma_start3A_34 : memref<256xi32, #tpu.memory_space<vmem>>) offset_filter(%dma_start3A_38) semaphore(%arg15 : memref<!tpu.dma_semaphore, #tpu.memory_space<semaphore_mem>>)
    %dma_start3A_39 = arith.constant 512 : i32
    %dma_start3A_40 = tpu.memref_slice %arg8[%dma_start3A_39] : memref<1024xi32, #tpu.memory_space<vmem>> -> memref<256xi32, #tpu.memory_space<vmem>>
    %dma_start3A_41 = arith.constant 0 : i32
    %dma_start3A_42 = arith.constant 0 : i32
    %dma_start3A_43 = tpu.memref_slice %arg3[%dma_start3A_41, %dma_start3A_42] : memref<4096x128xf32, #tpu.memory_space<hbm>> -> memref<4096x128xf32, #tpu.memory_space<hbm>>
    %dma_start3A_44 = arith.constant -1 : i32
    tpu.enqueue_indirect_dma source(%dma_start3A_43 : memref<4096x128xf32, #tpu.memory_space<hbm>>) target(%arg12 : memref<256x128xf32, #tpu.memory_space<vmem>>) offsets(%dma_start3A_40 : memref<256xi32, #tpu.memory_space<vmem>>) offset_filter(%dma_start3A_44) semaphore(%arg18 : memref<!tpu.dma_semaphore, #tpu.memory_space<semaphore_mem>>)
    %dma_wait3A = arith.constant 0 : i32
    %dma_wait3A_45 = tpu.memref_slice %arg7[%dma_wait3A] : memref<1024xi32, #tpu.memory_space<vmem>> -> memref<256xi32, #tpu.memory_space<vmem>>
    %dma_wait3A_46 = arith.constant 0 : i32
    %dma_wait3A_47 = arith.constant 0 : i32
    %dma_wait3A_48 = tpu.memref_slice %arg2[%dma_wait3A_46, %dma_wait3A_47] : memref<131072x128xf32, #tpu.memory_space<hbm>> -> memref<131072x128xf32, #tpu.memory_space<hbm>>
    tpu.wait_indirect_dma semaphore(%arg13 : memref<!tpu.dma_semaphore, #tpu.memory_space<semaphore_mem>>) src(%dma_wait3A_48 : memref<131072x128xf32, #tpu.memory_space<hbm>>) dst(%arg10 : memref<256x128xf32, #tpu.memory_space<vmem>>)
    %dma_wait3A_49 = arith.constant 0 : i32
    %dma_wait3A_50 = tpu.memref_slice %arg8[%dma_wait3A_49] : memref<1024xi32, #tpu.memory_space<vmem>> -> memref<256xi32, #tpu.memory_space<vmem>>
    %dma_wait3A_51 = arith.constant 0 : i32
    %dma_wait3A_52 = arith.constant 0 : i32
    %dma_wait3A_53 = tpu.memref_slice %arg3[%dma_wait3A_51, %dma_wait3A_52] : memref<4096x128xf32, #tpu.memory_space<hbm>> -> memref<4096x128xf32, #tpu.memory_space<hbm>>
    tpu.wait_indirect_dma semaphore(%arg16 : memref<!tpu.dma_semaphore, #tpu.memory_space<semaphore_mem>>) src(%dma_wait3A_53 : memref<4096x128xf32, #tpu.memory_space<hbm>>) dst(%arg10 : memref<256x128xf32, #tpu.memory_space<vmem>>)
    %add3A_54 = arith.constant 0 : i32
    %add3A_55 = arith.addi %mul3A_2, %add3A_54 : i32
    %dma_start3A_56 = arith.constant 0 : i32
    %dma_start3A_57 = tpu.memref_slice %arg6[%add3A_55, %dma_start3A_56] : memref<32768x128xf32, #tpu.memory_space<hbm>> -> memref<256x128xf32, #tpu.memory_space<hbm>>
    %dma_start3A_58 = arith.constant 0 : i32
    %dma_start3A_59 = tpu.memref_slice %arg6[%add3A_55, %dma_start3A_58] : memref<32768x128xf32, #tpu.memory_space<hbm>> -> memref<256x128xf32, #tpu.memory_space<hbm>>
    tpu.enqueue_dma source(%arg10 : memref<256x128xf32, #tpu.memory_space<vmem>>) target(%dma_start3A_59 : memref<256x128xf32, #tpu.memory_space<hbm>>) target_semaphore(%arg19 : memref<!tpu.dma_semaphore, #tpu.memory_space<semaphore_mem>>)
    %dma_wait3A_60 = arith.constant 0 : i32
    %dma_wait3A_61 = tpu.memref_slice %arg6[%add3A_55, %dma_wait3A_60] : memref<32768x128xf32, #tpu.memory_space<hbm>> -> memref<256x128xf32, #tpu.memory_space<hbm>>
    %dma_wait3A_62 = arith.constant 0 : i32
    %dma_wait3A_63 = tpu.memref_slice %arg6[%add3A_55, %dma_wait3A_62] : memref<32768x128xf32, #tpu.memory_space<hbm>> -> memref<256x128xf32, #tpu.memory_space<hbm>>
    tpu.wait_dma2 semaphore(%arg19 : memref<!tpu.dma_semaphore, #tpu.memory_space<semaphore_mem>>) src(%arg10 : memref<256x128xf32, #tpu.memory_space<vmem>>) dst(%dma_wait3A_63 : memref<256x128xf32, #tpu.memory_space<hbm>>)
    %dma_start3A_64 = arith.constant 768 : i32
    %dma_start3A_65 = tpu.memref_slice %arg7[%dma_start3A_64] : memref<1024xi32, #tpu.memory_space<vmem>> -> memref<256xi32, #tpu.memory_space<vmem>>
    %dma_start3A_66 = arith.constant 0 : i32
    %dma_start3A_67 = arith.constant 0 : i32
    %dma_start3A_68 = tpu.memref_slice %arg2[%dma_start3A_66, %dma_start3A_67] : memref<131072x128xf32, #tpu.memory_space<hbm>> -> memref<131072x128xf32, #tpu.memory_space<hbm>>
    %dma_start3A_69 = arith.constant -1 : i32
    tpu.enqueue_indirect_dma source(%dma_start3A_68 : memref<131072x128xf32, #tpu.memory_space<hbm>>) target(%arg10 : memref<256x128xf32, #tpu.memory_space<vmem>>) offsets(%dma_start3A_65 : memref<256xi32, #tpu.memory_space<vmem>>) offset_filter(%dma_start3A_69) semaphore(%arg13 : memref<!tpu.dma_semaphore, #tpu.memory_space<semaphore_mem>>)
    %dma_start3A_70 = arith.constant 768 : i32
    %dma_start3A_71 = tpu.memref_slice %arg8[%dma_start3A_70] : memref<1024xi32, #tpu.memory_space<vmem>> -> memref<256xi32, #tpu.memory_space<vmem>>
    %dma_start3A_72 = arith.constant 0 : i32
    %dma_start3A_73 = arith.constant 0 : i32
    %dma_start3A_74 = tpu.memref_slice %arg3[%dma_start3A_72, %dma_start3A_73] : memref<4096x128xf32, #tpu.memory_space<hbm>> -> memref<4096x128xf32, #tpu.memory_space<hbm>>
    %dma_start3A_75 = arith.constant -1 : i32
    tpu.enqueue_indirect_dma source(%dma_start3A_74 : memref<4096x128xf32, #tpu.memory_space<hbm>>) target(%arg10 : memref<256x128xf32, #tpu.memory_space<vmem>>) offsets(%dma_start3A_71 : memref<256xi32, #tpu.memory_space<vmem>>) offset_filter(%dma_start3A_75) semaphore(%arg16 : memref<!tpu.dma_semaphore, #tpu.memory_space<semaphore_mem>>)
    %dma_wait3A_76 = arith.constant 256 : i32
    %dma_wait3A_77 = tpu.memref_slice %arg7[%dma_wait3A_76] : memref<1024xi32, #tpu.memory_space<vmem>> -> memref<256xi32, #tpu.memory_space<vmem>>
    %dma_wait3A_78 = arith.constant 0 : i32
    %dma_wait3A_79 = arith.constant 0 : i32
    %dma_wait3A_80 = tpu.memref_slice %arg2[%dma_wait3A_78, %dma_wait3A_79] : memref<131072x128xf32, #tpu.memory_space<hbm>> -> memref<131072x128xf32, #tpu.memory_space<hbm>>
    tpu.wait_indirect_dma semaphore(%arg14 : memref<!tpu.dma_semaphore, #tpu.memory_space<semaphore_mem>>) src(%dma_wait3A_80 : memref<131072x128xf32, #tpu.memory_space<hbm>>) dst(%arg11 : memref<256x128xf32, #tpu.memory_space<vmem>>)
    %dma_wait3A_81 = arith.constant 256 : i32
    %dma_wait3A_82 = tpu.memref_slice %arg8[%dma_wait3A_81] : memref<1024xi32, #tpu.memory_space<vmem>> -> memref<256xi32, #tpu.memory_space<vmem>>
    %dma_wait3A_83 = arith.constant 0 : i32
    %dma_wait3A_84 = arith.constant 0 : i32
    %dma_wait3A_85 = tpu.memref_slice %arg3[%dma_wait3A_83, %dma_wait3A_84] : memref<4096x128xf32, #tpu.memory_space<hbm>> -> memref<4096x128xf32, #tpu.memory_space<hbm>>
    tpu.wait_indirect_dma semaphore(%arg17 : memref<!tpu.dma_semaphore, #tpu.memory_space<semaphore_mem>>) src(%dma_wait3A_85 : memref<4096x128xf32, #tpu.memory_space<hbm>>) dst(%arg11 : memref<256x128xf32, #tpu.memory_space<vmem>>)
    %add3A_86 = arith.constant 256 : i32
    %add3A_87 = arith.addi %mul3A_2, %add3A_86 : i32
    %dma_start3A_88 = arith.constant 0 : i32
    %dma_start3A_89 = tpu.memref_slice %arg6[%add3A_87, %dma_start3A_88] : memref<32768x128xf32, #tpu.memory_space<hbm>> -> memref<256x128xf32, #tpu.memory_space<hbm>>
    %dma_start3A_90 = arith.constant 0 : i32
    %dma_start3A_91 = tpu.memref_slice %arg6[%add3A_87, %dma_start3A_90] : memref<32768x128xf32, #tpu.memory_space<hbm>> -> memref<256x128xf32, #tpu.memory_space<hbm>>
    tpu.enqueue_dma source(%arg11 : memref<256x128xf32, #tpu.memory_space<vmem>>) target(%dma_start3A_91 : memref<256x128xf32, #tpu.memory_space<hbm>>) target_semaphore(%arg20 : memref<!tpu.dma_semaphore, #tpu.memory_space<semaphore_mem>>)
    %dma_wait3A_92 = arith.constant 512 : i32
    %dma_wait3A_93 = tpu.memref_slice %arg7[%dma_wait3A_92] : memref<1024xi32, #tpu.memory_space<vmem>> -> memref<256xi32, #tpu.memory_space<vmem>>
    %dma_wait3A_94 = arith.constant 0 : i32
    %dma_wait3A_95 = arith.constant 0 : i32
    %dma_wait3A_96 = tpu.memref_slice %arg2[%dma_wait3A_94, %dma_wait3A_95] : memref<131072x128xf32, #tpu.memory_space<hbm>> -> memref<131072x128xf32, #tpu.memory_space<hbm>>
    tpu.wait_indirect_dma semaphore(%arg15 : memref<!tpu.dma_semaphore, #tpu.memory_space<semaphore_mem>>) src(%dma_wait3A_96 : memref<131072x128xf32, #tpu.memory_space<hbm>>) dst(%arg12 : memref<256x128xf32, #tpu.memory_space<vmem>>)
    %dma_wait3A_97 = arith.constant 512 : i32
    %dma_wait3A_98 = tpu.memref_slice %arg8[%dma_wait3A_97] : memref<1024xi32, #tpu.memory_space<vmem>> -> memref<256xi32, #tpu.memory_space<vmem>>
    %dma_wait3A_99 = arith.constant 0 : i32
    %dma_wait3A_100 = arith.constant 0 : i32
    %dma_wait3A_101 = tpu.memref_slice %arg3[%dma_wait3A_99, %dma_wait3A_100] : memref<4096x128xf32, #tpu.memory_space<hbm>> -> memref<4096x128xf32, #tpu.memory_space<hbm>>
    tpu.wait_indirect_dma semaphore(%arg18 : memref<!tpu.dma_semaphore, #tpu.memory_space<semaphore_mem>>) src(%dma_wait3A_101 : memref<4096x128xf32, #tpu.memory_space<hbm>>) dst(%arg12 : memref<256x128xf32, #tpu.memory_space<vmem>>)
    %add3A_102 = arith.constant 512 : i32
    %add3A_103 = arith.addi %mul3A_2, %add3A_102 : i32
    %dma_start3A_104 = arith.constant 0 : i32
    %dma_start3A_105 = tpu.memref_slice %arg6[%add3A_103, %dma_start3A_104] : memref<32768x128xf32, #tpu.memory_space<hbm>> -> memref<256x128xf32, #tpu.memory_space<hbm>>
    %dma_start3A_106 = arith.constant 0 : i32
    %dma_start3A_107 = tpu.memref_slice %arg6[%add3A_103, %dma_start3A_106] : memref<32768x128xf32, #tpu.memory_space<hbm>> -> memref<256x128xf32, #tpu.memory_space<hbm>>
    tpu.enqueue_dma source(%arg12 : memref<256x128xf32, #tpu.memory_space<vmem>>) target(%dma_start3A_107 : memref<256x128xf32, #tpu.memory_space<hbm>>) target_semaphore(%arg21 : memref<!tpu.dma_semaphore, #tpu.memory_space<semaphore_mem>>)
    %dma_wait3A_108 = arith.constant 768 : i32
    %dma_wait3A_109 = tpu.memref_slice %arg7[%dma_wait3A_108] : memref<1024xi32, #tpu.memory_space<vmem>> -> memref<256xi32, #tpu.memory_space<vmem>>
    %dma_wait3A_110 = arith.constant 0 : i32
    %dma_wait3A_111 = arith.constant 0 : i32
    %dma_wait3A_112 = tpu.memref_slice %arg2[%dma_wait3A_110, %dma_wait3A_111] : memref<131072x128xf32, #tpu.memory_space<hbm>> -> memref<131072x128xf32, #tpu.memory_space<hbm>>
    tpu.wait_indirect_dma semaphore(%arg13 : memref<!tpu.dma_semaphore, #tpu.memory_space<semaphore_mem>>) src(%dma_wait3A_112 : memref<131072x128xf32, #tpu.memory_space<hbm>>) dst(%arg10 : memref<256x128xf32, #tpu.memory_space<vmem>>)
    %dma_wait3A_113 = arith.constant 768 : i32
    %dma_wait3A_114 = tpu.memref_slice %arg8[%dma_wait3A_113] : memref<1024xi32, #tpu.memory_space<vmem>> -> memref<256xi32, #tpu.memory_space<vmem>>
    %dma_wait3A_115 = arith.constant 0 : i32
    %dma_wait3A_116 = arith.constant 0 : i32
    %dma_wait3A_117 = tpu.memref_slice %arg3[%dma_wait3A_115, %dma_wait3A_116] : memref<4096x128xf32, #tpu.memory_space<hbm>> -> memref<4096x128xf32, #tpu.memory_space<hbm>>
    tpu.wait_indirect_dma semaphore(%arg16 : memref<!tpu.dma_semaphore, #tpu.memory_space<semaphore_mem>>) src(%dma_wait3A_117 : memref<4096x128xf32, #tpu.memory_space<hbm>>) dst(%arg10 : memref<256x128xf32, #tpu.memory_space<vmem>>)
    %add3A_118 = arith.constant 768 : i32
    %add3A_119 = arith.addi %mul3A_2, %add3A_118 : i32
    %dma_start3A_120 = arith.constant 0 : i32
    %dma_start3A_121 = tpu.memref_slice %arg6[%add3A_119, %dma_start3A_120] : memref<32768x128xf32, #tpu.memory_space<hbm>> -> memref<256x128xf32, #tpu.memory_space<hbm>>
    %dma_start3A_122 = arith.constant 0 : i32
    %dma_start3A_123 = tpu.memref_slice %arg6[%add3A_119, %dma_start3A_122] : memref<32768x128xf32, #tpu.memory_space<hbm>> -> memref<256x128xf32, #tpu.memory_space<hbm>>
    tpu.enqueue_dma source(%arg10 : memref<256x128xf32, #tpu.memory_space<vmem>>) target(%dma_start3A_123 : memref<256x128xf32, #tpu.memory_space<hbm>>) target_semaphore(%arg19 : memref<!tpu.dma_semaphore, #tpu.memory_space<semaphore_mem>>)
    %dma_wait3A_124 = arith.constant 0 : i32
    %dma_wait3A_125 = tpu.memref_slice %arg6[%add3A_87, %dma_wait3A_124] : memref<32768x128xf32, #tpu.memory_space<hbm>> -> memref<256x128xf32, #tpu.memory_space<hbm>>
    %dma_wait3A_126 = arith.constant 0 : i32
    %dma_wait3A_127 = tpu.memref_slice %arg6[%add3A_87, %dma_wait3A_126] : memref<32768x128xf32, #tpu.memory_space<hbm>> -> memref<256x128xf32, #tpu.memory_space<hbm>>
    tpu.wait_dma2 semaphore(%arg20 : memref<!tpu.dma_semaphore, #tpu.memory_space<semaphore_mem>>) src(%arg11 : memref<256x128xf32, #tpu.memory_space<vmem>>) dst(%dma_wait3A_127 : memref<256x128xf32, #tpu.memory_space<hbm>>)
    %dma_wait3A_128 = arith.constant 0 : i32
    %dma_wait3A_129 = tpu.memref_slice %arg6[%add3A_103, %dma_wait3A_128] : memref<32768x128xf32, #tpu.memory_space<hbm>> -> memref<256x128xf32, #tpu.memory_space<hbm>>
    %dma_wait3A_130 = arith.constant 0 : i32
    %dma_wait3A_131 = tpu.memref_slice %arg6[%add3A_103, %dma_wait3A_130] : memref<32768x128xf32, #tpu.memory_space<hbm>> -> memref<256x128xf32, #tpu.memory_space<hbm>>
    tpu.wait_dma2 semaphore(%arg21 : memref<!tpu.dma_semaphore, #tpu.memory_space<semaphore_mem>>) src(%arg12 : memref<256x128xf32, #tpu.memory_space<vmem>>) dst(%dma_wait3A_131 : memref<256x128xf32, #tpu.memory_space<hbm>>)
    %dma_wait3A_132 = arith.constant 0 : i32
    %dma_wait3A_133 = tpu.memref_slice %arg6[%add3A_119, %dma_wait3A_132] : memref<32768x128xf32, #tpu.memory_space<hbm>> -> memref<256x128xf32, #tpu.memory_space<hbm>>
    %dma_wait3A_134 = arith.constant 0 : i32
    %dma_wait3A_135 = tpu.memref_slice %arg6[%add3A_119, %dma_wait3A_134] : memref<32768x128xf32, #tpu.memory_space<hbm>> -> memref<256x128xf32, #tpu.memory_space<hbm>>
    tpu.wait_dma2 semaphore(%arg19 : memref<!tpu.dma_semaphore, #tpu.memory_space<semaphore_mem>>) src(%arg10 : memref<256x128xf32, #tpu.memory_space<vmem>>) dst(%dma_wait3A_135 : memref<256x128xf32, #tpu.memory_space<hbm>>)
    return
  }
}

</mosaic_0001>

<sc_bundles>
// kernel: kernel.3.cloned.1.call-start
scs
__scs_entry_jumppad:
0x0: {  	(pc) =	sbr.rel $0x88, $3  }
0x1: {  	(tag) =	ssettag $0x0;
	lr =	simm.s32 $0x1  }
0x2: {  	[smem:$0x3F9D] =	sst lr;
	_ =	strace $0xD0000000  }
0x3: {  	_ = 	snop  }
0x4: {  	_ = 	snop  }
0x5: {  	_ = 	snop  }
0x6: {  	_ = 	snop  }
0x7: {  	_ = 	snop  }
__scs_overlays_trampoline_lowered:
0x8: {  	[smem:$0x3FAC] =	sst s0  }
0x9: {  	[smem:$0x3FAD] =	sst s1  }
0xa: {  	[smem:$0x3FAE] =	sst s2  }
0xb: {  	[smem:$0x3FAF] =	sst s3  }
0xc: {  	[smem:$0x3FB0] =	sst s4  }
0xd: {  	[smem:$0x3FB1] =	sst s5  }
0xe: {  	[smem:$0x3FB2] =	sst s6  }
0xf: {  	[smem:$0x3FB3] =	sst s7  }
0x10: {  	[smem:$0x3FB4] =	sst s8  }
0x11: {  	[smem:$0x3FB5] =	sst s9;
	s0 =	simm.s32 @!p0 $0x0  }
0x12: {  	s1 =	sld [smem:$0x3F9B];
	s0 =	simm.s32 @p0 $0x1  }
0x13: {  	[smem:$0x3FB6] =	sst s0;
	s0 =	simm.s32 @!p1 $0x0  }
0x14: {  	s2 =	sld [smem:$0x3F9A];
	s0 =	simm.s32 @p1 $0x1  }
0x15: {  	[smem:$0x3FB7] =	sst s0;
	s0 =	simm.s32 @!p2 $0x0  }
0x16: {  	s3 =	sld [smem:$0x3FDB];
	s0 =	simm.s32 @p2 $0x1  }
0x17: {  	s4 =	simm.s32 $0x1BF5;
	[smem:$0x3FB9] =	sst s0  }
0x18: {  	s0 =	sld [smem:$0x3F9C];
	_ =	swait.ge [sflag:s4], $0x0  }
0x19: {  	s7 =	sld [smem:$0x3F9D]  }
0x1a: {  	s8 =	sadd.s32 $0xFFFFE003, lr  }
0x1b: {  	s9 =	sadd.s32 $0xFFFFFEF7, lr;
	s5 =	simm.s32 $0xFFFFFFFF;
	p2 =	slt.u32 s8, $0xFFFFF086  }
0x1c: {  	p1 =	slt.u32 s9, $0xF7A;
	s5 =	simm.s32 @!p2 $0x0  }
0x1d: {  	s5 =	simm.s32 @p1 $0x1;
	p0 =	seq.s32 s7, s2  }
0x1e: {  	s7 =	smul.u32 @!p0 $0xF7A, s2;
	p2 =	seq.s32 @!p0 s5, $0x0  }
0x1f: {  	s9 =	smul.u32 $0xF7A, s1;
	s8 =	simm.s32 @!p0 $0x1BF5;
	p2 =	por !p2, p0  }
0x20: {  	[sflag:s8] =	ssyncset.s32 @!p0 $0xFFFFF086;
	s6 =	sadd.s32 @!p0 s3, s7;
	s7 =	simm.s32 @!p0 $0x108  }
0x21: {  	s3 =	sadd.s32 s3, s9;
	s6 =	sadd.s32 @!p0 $0x88, s6;
	s7 =	simm.s32 @p2 $0x1082  }
0x22: {  	[simem:s7], [sflag:s8] =	dma.local @!p0 [hbm:s6], $0xF7A  }
0x23: {  	s9 =	sor.u32 $0xD0000000, s2;
	s6 =	simm.s32 $0x108;
	_ =	swait.ge @!p0 [sflag:s8], $0x0  }
0x24: {  	s3 =	sadd.s32 $0x88, s3;
	s6 =	simm.s32 @!p1 $0x1082;
	[sflag:s4] =	ssyncset.s32 $0xFFFFF086  }
0x25: {  	[simem:s6], [sflag:s4] =	dma.local [hbm:s3], $0xF7A  }
0x26: {  	[smem:$0x3F9D] =	sst s1;
	(tag) =	ssettag s2;
	_ =	strace s9  }
0x27: {  	s1 =	sld [smem:$0x3FAD]  }
0x28: {  	s2 =	sld [smem:$0x3FAE]  }
0x29: {  	s4 =	sld [smem:$0x3FB0]  }
0x2a: {  	p0 =	seq.s32 s5, $0x0;
	s5 =	sld [smem:$0x3FB1]  }
0x2b: {  	s6 =	sld [smem:$0x3FB2]  }
0x2c: {  	s7 =	sld [smem:$0x3FB3]  }
0x2d: {  	s3 =	simm.s32 $0x108;
	s8 =	sld [smem:$0x3FB4]  }
0x2e: {  	s3 =	simm.s32 @!p0 $0x1082;
	s9 =	sld [smem:$0x3FB5]  }
0x2f: {  	lr =	sadd.s32 s0, s3;
	s0 =	sld [smem:$0x3FAC]  }
0x30: {  	s3 =	sld [smem:$0x3FAF]  }
0x31: {  	[smem:$0x3FB8] =	sst s10  }
0x32: {  	s10 =	sld [smem:$0x3FB6];
	_ =	sdelay $0x3  }
0x33: {  	p0 =	seq.s32 s10, $0x1;
	s10 =	sld [smem:$0x3FB8];
	_ =	sdelay $0x3  }
0x34: {  	[smem:$0x3FB8] =	sst s10  }
0x35: {  	s10 =	sld [smem:$0x3FB7];
	_ =	sdelay $0x3  }
0x36: {  	p1 =	seq.s32 s10, $0x1;
	s10 =	sld [smem:$0x3FB8];
	_ =	sdelay $0x3  }
0x37: {  	[smem:$0x3FB8] =	sst s10  }
0x38: {  	s10 =	sld [smem:$0x3FB9]  }
0x39: {  	_ = 	snop;
	(pc) =	sbr.ind lr, $3  }
0x3a: {  	_ = 	snop  }
0x3b: {  	_ = 	snop  }
0x3c: {  	p2 =	seq.s32 s10, $0x1;
	s10 =	sld [smem:$0x3FB8]  }
0x3d: {  	_ =	shalt  }
0x3e: {  	_ =	shalt  }
0x3f: {  	_ =	shalt  }
0x40: {  	_ =	shalt  }
0x41: {  	_ =	shalt  }
0x42: {  	_ =	shalt  }
0x43: {  	_ =	shalt  }
0x44: {  	_ =	shalt  }
0x45: {  	_ =	shalt  }
0x46: {  	_ =	shalt  }
0x47: {  	_ =	shalt  }
0x48: {  	_ =	shalt  }
0x49: {  	_ =	shalt  }
0x4a: {  	_ =	shalt  }
0x4b: {  	_ =	shalt  }
0x4c: {  	_ =	shalt  }
0x4d: {  	_ =	shalt  }
0x4e: {  	_ =	shalt  }
0x4f: {  	_ =	shalt  }
0x50: {  	_ =	shalt  }
0x51: {  	_ =	shalt  }
0x52: {  	_ =	shalt  }
0x53: {  	_ =	shalt  }
0x54: {  	_ =	shalt  }
0x55: {  	_ =	shalt  }
0x56: {  	_ =	shalt  }
0x57: {  	_ =	shalt  }
0x58: {  	_ =	shalt  }
0x59: {  	_ =	shalt  }
0x5a: {  	_ =	shalt  }
0x5b: {  	_ =	shalt  }
0x5c: {  	_ =	shalt  }
0x5d: {  	_ =	shalt  }
0x5e: {  	_ =	shalt  }
0x5f: {  	_ =	shalt  }
0x60: {  	_ =	shalt  }
0x61: {  	_ =	shalt  }
0x62: {  	_ =	shalt  }
0x63: {  	_ =	shalt  }
0x64: {  	_ =	shalt  }
0x65: {  	_ =	shalt  }
0x66: {  	_ =	shalt  }
0x67: {  	_ =	shalt  }
0x68: {  	_ =	shalt  }
0x69: {  	_ =	shalt  }
0x6a: {  	_ =	shalt  }
0x6b: {  	_ =	shalt  }
0x6c: {  	_ =	shalt  }
0x6d: {  	_ =	shalt  }
0x6e: {  	_ =	shalt  }
0x6f: {  	_ =	shalt  }
0x70: {  	_ =	shalt  }
0x71: {  	_ =	shalt  }
0x72: {  	_ =	shalt  }
0x73: {  	_ =	shalt  }
0x74: {  	_ =	shalt  }
0x75: {  	_ =	shalt  }
0x76: {  	_ =	shalt  }
0x77: {  	_ =	shalt  }
0x78: {  	_ =	shalt  }
0x79: {  	_ =	shalt  }
0x7a: {  	_ =	shalt  }
0x7b: {  	_ =	shalt  }
0x7c: {  	_ =	shalt  }
0x7d: {  	_ =	shalt  }
0x7e: {  	_ =	shalt  }
0x7f: {  	_ =	shalt  }
0x80: {  	_ =	shalt  }
0x81: {  	_ =	shalt  }
0x82: {  	_ =	shalt  }
0x83: {  	_ =	shalt  }
0x84: {  	_ =	shalt  }
0x85: {  	_ =	shalt  }
0x86: {  	_ =	shalt  }
0x87: {  	_ =	shalt  }
.Lfunc_end0:
.L_simem_size_0:
called_computation_lowered:
.L_overlay_start_0:
0x88: {  	s2 =	sld [smem:$0x3FD9]  }
0x89: {  	s3 =	sld [smem:$0x3FFE];
	_ =	sdelay $0x1  }
0x8a: {  	s1 =	srdreg.scid  }
0x8b: {  	s0 =	sand.u32 $0x1, s1  }
0x8c: {  	s17 =	sshll.u32 s0, $0xA;
	s2 =	sadd.s32 s3, s2  }
0x8d: {  	s2 =	sadd.s32 s2, s17  }
0x8e: {  	[smem:$0x3FC4] =	sst s2  }
0x8f: {  	_ = 	snop  }
0x90: {  	s2 =	sld [smem:$0x3FC9]  }
0x91: {  	s18 =	sld [smem:$0x3FC8]  }
0x92: {  	s4 =	sld [smem:$0x3FC6]  }
0x93: {  	s5 =	sld [smem:$0x3FD0];
	(tm) =	ssettm $0x1  }
0x94: {  	s6 =	sld [smem:$0x3FFB];
	_ =	sdelay $0x3  }
0x95: {  	_ =	strace s6  }
0x96: {  	s6 =	sld [smem:$0x3FFC];
	_ =	sdelay $0x3  }
0x97: {  	_ =	strace s6  }
0x98: {  	s6 =	sld [smem:$0x3FFD];
	_ =	sdelay $0x3  }
0x99: {  	_ =	strace s6  }
0x9a: {  	_ =	strace $0x8FFFFFFF  }
0x9b: {  	s19 =	sld [smem:$0x3FDB];
	_ =	sdelay $0x1  }
0x9c: {  	s7 =	simm.s32 $_scs_section_size  }
0x9d: {  	s8 =	simm.s32 $_size__tile_overlayer_lowered;
	s9 =	simm.s32 $_tile_overlayer_lowered  }
0x9e: {  	s22 =	simm.s32 $0x1BFF;
	s21 =	sshll.u32 s9, $0x1;
	s6 =	sadd.s32 s7, s19  }
0x9f: {  	s10 =	simm.s32 $0x0;
	s20 =	sshll.u32 s8, $0x1;
	s8 =	sadd.s32 s21, s6  }
0xa0: {  	[timem:s10], [sflag:s22] =	dma.local [hbm:s8], s20  }
0xa1: {  	_ =	swait.ge [sflag:s22], s20  }
0xa2: {  	s7 =	ssub.s32 $0x0, s20;
	[sflag:s22] =	ssyncset.done $0x0  }
0xa3: {  	[sflag:s22] =	ssyncadd.s32 s7;
	_ =	sdelay $0x1  }
0xa4: {  	s23 =	simm.s32 $0x1B8B  }
0xa5: {  	_ =	swait.ge [sflag:s23], $0x1  }
0xa6: {  	[sflag:s23] =	ssyncset.done $0x0  }
0xa7: {  	s25 =	simm.s32 $0x1B8E;
	s24 =	sld [smem:$0x3FFE];
	[sflag:s23] =	ssyncadd.s32 $0xFFFFFFFF  }
0xa8: {  	s26 =	simm.s32 $execute0_lowered;
	[smem:$0x3FD2] =	sst s25  }
0xa9: {  	s8 =	sshll.u32 s26, $0x1;
	_ =	strace $0x80000046;
	[dreg:$0x1] =	wrdreg $0xFFFFFFFF  }
0xaa: {  	s28 =	simm.s32 $_size_execute0_lowered;
	s6 =	sadd.s32 s6, s8;
	[dreg:$0x0] =	wrdreg $0x0  }
0xab: {  	s8 =	sshll.u32 s28, $0x1;
	[dreg:$0x2] =	wrdreg s6  }
0xac: {  	[dreg:$0x3] =	wrdreg s8  }
0xad: {  	[dreg:$0x4] =	wrdreg $0xC0  }
0xae: {  	_ =	task [dreg:s10], $0x5FFFF  }
0xaf: {  	[dreg:$0x1] =	wrdreg $0xFFFFFFFF  }
0xb0: {  	[dreg:$0x0] =	wrdreg $0x60  }
0xb1: {  	[dreg:$0x2] =	wrdreg s2  }
0xb2: {  	[dreg:$0x3] =	wrdreg s18  }
0xb3: {  	[dreg:$0x4] =	wrdreg s24  }
0xb4: {  	[dreg:$0x5] =	wrdreg s4  }
0xb5: {  	[dreg:$0x6] =	wrdreg s5  }
0xb6: {  	[dreg:$0x7] =	wrdreg $0x9  }
0xb7: {  	_ =	task.clear_ibuf [dreg:s10], $0x8FFFF;
	_ =	strace $0x90000046  }
0xb8: {  	s29 =	simm.s32 $0x9;
	_ =	strace $0x80000048  }
0xb9: {  	_ =	swait.ge [sflag:s29], $0x1  }
0xba: {  	[sflag:s29] =	ssyncadd.s32 $0xFFFFFFFF  }
0xbb: {  	_ =	strace $0x90000048  }
0xbc: {  	_ =	sfence  }
0xbd: {  	s30 =	sld [smem:$0x0];
	_ =	sdelay $0x2  }
0xbe: {  	s31 =	sshll.u32 s1, $0xD;
	s1 =	sshrl.u32 s1, $0x2  }
0xbf: {  	s3 =	sand.u32 $0x4000, s31;
	s1 =	sadd.s32 s1, s30  }
0xc0: {  	s0 =	sor.u32 s3, s0;
	s1 =	sshll.u32 s1, $0x11  }
0xc1: {  	s0 =	sor.u32 s1, s0  }
0xc2: {  	s0 =	sadd.s32 $0x8F2B, s0  }
0xc3: {  	[sflag:s0] =	ssyncadd.remote.s32 $0x1  }
0xc4: {  	_ =	sfence.sel $0xFFFF  }
0xc5: {  	[dreg:$0x0] =	wrdreg $0xFFFFFFFF;
	(pc) =	sbr.abs _section_cstart, $3  }
0xc6: {  	[dreg:$0x1] =	wrdreg $0xFFFFFFFF  }
0xc7: {  	_ =	task.clear_ibuf [dreg:s10], $0x2FFFF;
	_ =	strace $0x9FFFFFFF  }
0xc8: {  	(tm) =	ssettm $0x7FFFFFFF  }
0xc9: {  	_ =	shalt  }
tec
execute0_lowered:
.L_overlay_start_1:
0x0: {  	(tag) =	ssettag $0x1  }
0x1: {  	s1 =	rddreg [dreg:$0x0]  }
0x2: {  	s2 =	rddreg [dreg:$0x1]  }
0x3: {  	s0 =	rddreg [dreg:$0x2]  }
0x4: {  	s3 =	rddreg [dreg:$0x3]  }
0x5: {  	s6 =	rddreg [dreg:$0x4]  }
0x6: {  	s5 =	srdreg.scid;
	s4 =	simm.s32 $0x0;
	s7 =	stileid.u32  }
0x7: {  	s12 =	simm.s32 $0xA;
	s14 =	simm.s32 $0x100;
	s15 =	simm.s32 $0x880  }
0x8: {  	s17 =	simm.s32 $0x8880;
	s20 =	simm.s32 $0x10880;
	s21 =	simm.s32 $0x600  }
0x9: {  	s22 =	simm.s32 $0x1;
	s23 =	simm.s32 $0x4;
	s24 =	simm.s32 $0x7  }
0xa: {  	s25 =	simm.s32 $0x300;
	s28 =	simm.s32 $0x2;
	s29 =	simm.s32 $0x5  }
0xb: {  	s30 =	simm.s32 $0x3;
	s31 =	simm.s32 $0x6;
	s13 =	simm.s32 $0x0  }
0xc: {  	s5 =	sand.u32 $0x1, s5;
	[smem:$0x7FF] =	sst s4;
	s7 =	sshll.u32 s7, $0xB  }
0xd: {  	s8 =	sshll.u32 s5, $0xA;
	_ =	strace $0x80000047;
	s9 =	ssub.s32 $0x2, s5  }
0xe: {  	s5 =	sadd.s32 $0x400, s0;
	s7 =	sor.u32 s8, s7;
	s26 =	sshrl.u32 s9, $0x1  }
0xf: {  	s8 =	sshll.u32 s7, $0x4;
	s0 =	ssub.s32 s9, s26;
	s7 =	sshrl.u32 s7, $0x3  }
0x10: {  	s26 =	simm.s32 $0x700;
	s6 =	sadd.s32 s6, s8;
	s7 =	sadd.s32 s3, s7  }
0x11: {  	s11 =	smax.u32 s0, $0x1;
	s0 =	simm.s32 $0x8;
	s3 =	simm.s32 $0x9  }
0x12: {  	s8 =	sadd.s32 $0x1000, s6;
	s9 =	sadd.s32 $0x2000, s6;
	s10 =	sadd.s32 $0x3000, s6  }
.LBB2_1:
0x13: {  	[tilespmem:s4], [sflag:$0xA] =	stream.linear.gather [hbm4b:s7+s4], $0x400, $0x38;
	[tilespmem:$0x18880] =	vst v63  }
0x14: {  	_ =	swait.ge [sflag:s12], $0x400  }
0x15: {  	[sflag:s12] =	ssyncset.done $0x0  }
0x16: {  	s16 =	simm.s32 $0x800;
	[sflag:s12] =	ssyncadd.s32 $0xFFFFFC00  }
0x17: {  	[tilespmem:s16], [sflag:$0xA] =	stream.linear.gather [hbm4b:s5+s4], $0x80, $0x38;
	[tilespmem:$0x18880] =	vst v63  }
0x18: {  	_ =	swait.ge [sflag:s12], $0x80  }
0x19: {  	[sflag:s12] =	ssyncset.done $0x0  }
0x1a: {  	[sflag:s12] =	ssyncadd.s32 $0xFFFFFF80  }
0x1b: {  	s16 =	simm.s32 $0x0;
	v0 =	vld [tilespmem:$0x800]  }
0x1c: {  	v2 =	vld [tilespmem:s16+$0x0];
	_ =	sdelay $0x3  }
0x1d: {  	v1 =	vadd.s32 $0x1000, v0  }
0x1e: {  	vm0 =	vge.s32 v2, v0;
	vm1 =	vlt.s32 v2, v1  }
0x1f: {  	vm0 =	vmand vm0, vm1  }
0x20: {  	v3 =	vsub.s32 v2, v0;
	v4 =	vsel vm0, $0xFFFFFFFF, v2  }
0x21: {  	s19 =	simm.s32 $0x10;
	s18 =	simm.s32 $0x80;
	v2 =	vnsel vm0, $0xFFFFFFFF, v3;
	[tilespmem:s16+$0x0] =	vst v4  }
.LBB2_2:
0x22: {  	p0 =	sne.s32 s18, $0xFC0;
	v3 =	vld [tilespmem:s19+$0x0];
	[tilespmem:s16+$0x400] =	vst v2;
	s16 =	smov.u32 s19;
	_ =	sdelay $0x3  }
.Ltmp0:
0x23: {  	(pc) =	sbr.rel @p0 .LBB2_2-.Ltmp0, $4  }
0x24: {  	vm0 =	vge.s32 v3, v0;
	vm1 =	vlt.s32 v3, v1;
	v2 =	vsub.s32 v3, v0  }
0x25: {  	vm0 =	vmand vm0, vm1  }
0x26: {  	v3 =	vsel vm0, $0xFFFFFFFF, v3;
	v2 =	vnsel vm0, $0xFFFFFFFF, v2  }
0x27: {  	s19 =	sshra.s32 s18, $0x2;
	s18 =	sadd.s32 $0x40, s18;
	[tilespmem:s16+$0x0] =	vst v3  }
0x28: {  	v3 =	vld [tilespmem:s19+$0x0];
	_ =	sdelay $0x4  }
0x29: {  	vm0 =	vge.s32 v3, v0;
	vm1 =	vlt.s32 v3, v1  }
0x2a: {  	vm0 =	vmand vm0, vm1  }
0x2b: {  	[tilespmem:s16+$0x400] =	vst v2;
	v62 =	vsub.s32 v3, v0;
	v63 =	vsel vm0, $0xFFFFFFFF, v3  }
0x2c: {  	v0 =	vnsel vm0, $0xFFFFFFFF, v62;
	[tilespmem:s19+$0x0] =	vst v63  }
0x2d: {  	[tilespmem:s19+$0x400] =	vst v0;
	(ifvalue) =	ssetifvalue $0xFFFFFFFF  }
0x2e: {  	(ifvalue) =	ssetifvalue $0xFFFFFFFF  }
0x2f: {  	[tilespmem:s15], [sflag:$0x1] =	stream.indirect.gather [hbm4b:s1+s14], $0x80, s4, s14, $0x40b8;
	[tilespmem:$0x18880] =	vst v63  }
0x30: {  	(ifvalue) =	ssetifvalue $0xFFFFFFFF  }
0x31: {  	s19 =	simm.s32 $0x400;
	(ifvalue) =	ssetifvalue $0xFFFFFFFF  }
0x32: {  	[tilespmem:s15], [sflag:$0x4] =	stream.indirect.gather [hbm4b:s2+s14], $0x80, s19, s14, $0x40b8;
	[tilespmem:$0x18880] =	vst v63  }
0x33: {  	(ifvalue) =	ssetifvalue $0xFFFFFFFF  }
0x34: {  	(ifvalue) =	ssetifvalue $0xFFFFFFFF  }
0x35: {  	[tilespmem:s17], [sflag:$0x2] =	stream.indirect.gather [hbm4b:s1+s14], $0x80, s14, s14, $0x40b8;
	[tilespmem:$0x18880] =	vst v63  }
0x36: {  	(ifvalue) =	ssetifvalue $0xFFFFFFFF  }
0x37: {  	s18 =	simm.s32 $0x500;
	(ifvalue) =	ssetifvalue $0xFFFFFFFF  }
0x38: {  	[tilespmem:s17], [sflag:$0x5] =	stream.indirect.gather [hbm4b:s2+s14], $0x80, s18, s14, $0x40b8;
	[tilespmem:$0x18880] =	vst v63  }
0x39: {  	(ifvalue) =	ssetifvalue $0xFFFFFFFF  }
0x3a: {  	s19 =	simm.s32 $0x200;
	(ifvalue) =	ssetifvalue $0xFFFFFFFF  }
0x3b: {  	[tilespmem:s20], [sflag:$0x3] =	stream.indirect.gather [hbm4b:s1+s14], $0x80, s19, s14, $0x40b8;
	[tilespmem:$0x18880] =	vst v63  }
0x3c: {  	(ifvalue) =	ssetifvalue $0xFFFFFFFF  }
0x3d: {  	(ifvalue) =	ssetifvalue $0xFFFFFFFF  }
0x3e: {  	[tilespmem:s20], [sflag:$0x6] =	stream.indirect.gather [hbm4b:s2+s14], $0x80, s21, s14, $0x40b8;
	[tilespmem:$0x18880] =	vst v63  }
0x3f: {  	_ =	swait.ge [sflag:s22], $0x8000  }
0x40: {  	[sflag:s22] =	ssyncset.done $0x0  }
0x41: {  	[sflag:s22] =	ssyncadd.s32 $0xFFFF8000  }
0x42: {  	_ =	swait.ge [sflag:s23], $0x8000  }
0x43: {  	[sflag:s23] =	ssyncset.done $0x0  }
0x44: {  	[sflag:s23] =	ssyncadd.s32 $0xFFFF8000  }
0x45: {  	[hbm4b:s6+s4] =	stream.linear.scatter [tilespmem:s15], [sflag:$0x7], $0x8000, $0x38;
	[tilespmem:$0x18880] =	vst v63  }
0x46: {  	_ =	swait.ge [sflag:s24], $0x8000  }
0x47: {  	[sflag:s24] =	ssyncset.done $0x0  }
0x48: {  	[sflag:s24] =	ssyncadd.s32 $0xFFFF8000;
	(ifvalue) =	ssetifvalue $0xFFFFFFFF  }
0x49: {  	(ifvalue) =	ssetifvalue $0xFFFFFFFF  }
0x4a: {  	[tilespmem:s15], [sflag:$0x1] =	stream.indirect.gather [hbm4b:s1+s14], $0x80, s25, s14, $0x40b8;
	[tilespmem:$0x18880] =	vst v63  }
0x4b: {  	(ifvalue) =	ssetifvalue $0xFFFFFFFF  }
0x4c: {  	(ifvalue) =	ssetifvalue $0xFFFFFFFF  }
0x4d: {  	[tilespmem:s15], [sflag:$0x4] =	stream.indirect.gather [hbm4b:s2+s14], $0x80, s26, s14, $0x40b8;
	[tilespmem:$0x18880] =	vst v63  }
0x4e: {  	_ =	swait.ge [sflag:s28], $0x8000  }
0x4f: {  	[sflag:s28] =	ssyncset.done $0x0  }
0x50: {  	[sflag:s28] =	ssyncadd.s32 $0xFFFF8000  }
0x51: {  	_ =	swait.ge [sflag:s29], $0x8000  }
0x52: {  	[sflag:s29] =	ssyncset.done $0x0  }
0x53: {  	[sflag:s29] =	ssyncadd.s32 $0xFFFF8000  }
0x54: {  	[hbm4b:s8+s4] =	stream.linear.scatter [tilespmem:s17], [sflag:$0x8], $0x8000, $0x38;
	[tilespmem:$0x18880] =	vst v63  }
0x55: {  	_ =	swait.ge [sflag:s30], $0x8000  }
0x56: {  	[sflag:s30] =	ssyncset.done $0x0  }
0x57: {  	[sflag:s30] =	ssyncadd.s32 $0xFFFF8000  }
0x58: {  	_ =	swait.ge [sflag:s31], $0x8000  }
0x59: {  	[sflag:s31] =	ssyncset.done $0x0  }
0x5a: {  	[sflag:s31] =	ssyncadd.s32 $0xFFFF8000  }
0x5b: {  	[hbm4b:s9+s4] =	stream.linear.scatter [tilespmem:s20], [sflag:$0x9], $0x8000, $0x38;
	[tilespmem:$0x18880] =	vst v63  }
0x5c: {  	_ =	swait.ge [sflag:s22], $0x8000  }
0x5d: {  	[sflag:s22] =	ssyncset.done $0x0  }
0x5e: {  	[sflag:s22] =	ssyncadd.s32 $0xFFFF8000  }
0x5f: {  	_ =	swait.ge [sflag:s23], $0x8000  }
0x60: {  	[sflag:s23] =	ssyncset.done $0x0  }
0x61: {  	[sflag:s23] =	ssyncadd.s32 $0xFFFF8000  }
0x62: {  	[hbm4b:s10+s4] =	stream.linear.scatter [tilespmem:s15], [sflag:$0x7], $0x8000, $0x38;
	[tilespmem:$0x18880] =	vst v63  }
0x63: {  	_ =	swait.ge [sflag:s0], $0x8000  }
0x64: {  	[sflag:s0] =	ssyncset.done $0x0  }
0x65: {  	s13 =	sadd.s32 $0x1, s13;
	[sflag:s0] =	ssyncadd.s32 $0xFFFF8000  }
0x66: {  	p0 =	sne.s32 s13, s11;
	_ =	swait.ge [sflag:s3], $0x8000  }
.Ltmp1:
0x67: {  	[sflag:s3] =	ssyncset.done $0x0;
	(pc) =	sbr.rel @p0 .LBB2_1-.Ltmp1, $4  }
0x68: {  	[sflag:s3] =	ssyncadd.s32 $0xFFFF8000  }
0x69: {  	_ =	swait.ge [sflag:s24], $0x8000  }
0x6a: {  	[sflag:s24] =	ssyncset.done $0x0  }
0x6b: {  	[sflag:s24] =	ssyncadd.s32 $0xFFFF8000  }
0x6c: {  	_ =	sfence.sel $0x180000  }
0x6d: {  	[bflag:$0x0] =	sbarrier.arrive $0xFFFF  }
0x6e: {  	_ =	strace $0x90000047  }
0x6f: {  	s0 =	stileid.u32;
	[bflag:$0x2] =	sbarrier.arrive $0xFFFF  }
0x70: {  	p0 =	sne.s32 s0, $0x0;
	s0 =	rddreg [dreg:$0x5]  }
0x71: {  	s0 =	sadd.s32 @!p0 $0x100000, s0  }
0x72: {  	[sflag:s0] =	ssyncadd.tile.s32 @!p0 $0x1;
	_ =	shalt  }
.Lfunc_end2:
_tile_overlayer_lowered:
.L_overlay_start_2:
0x73: {  	(tag) =	ssettag $0x2  }
0x74: {  	s0 =	rddreg [dreg:$0x0];
	s2 =	stileid.u32  }
0x75: {  	s1 =	rddreg [dreg:$0x1];
	p0 =	sne.s32 s2, $0x0  }
0x76: {  	s3 =	rddreg [dreg:$0x2];
	[bflag:$0x3] =	sbarrier.arrive $0xFFFF;
	s2 =	simm.s32 @!p0 $0x1C0A  }
0x77: {  	[timem:s3], [sflag:s2] =	dma.local @!p0 [hbm:s0], s1  }
0x78: {  	s0 =	simm.s32 @!p0 $0xA  }
0x79: {  	_ =	swait.ge @!p0 [sflag:s0], s1  }
0x7a: {  	s1 =	ssub.s32 @!p0 $0x0, s1;
	[sflag:s0] =	ssyncset.done @!p0 $0x0  }
0x7b: {  	[sflag:s0] =	ssyncadd.s32 @!p0 s1  }
0x7c: {  	[bflag:$0x3] =	sbarrier.arrive $0xFFFF  }
0x7d: {  	_ =	shalt  }

</sc_bundles>
